<compile_context>
chip_gen: v7x
topology: tpu7x:2x2x1
jax: 0.10.2.dev20260603
libtpu: 0.0.44.dev20260713+nightly
codegen_flags: <defaults>
</compile_context>

<pallas_src>
import numpy as np
import jax
import jax.numpy as jnp
from jax.experimental import pallas as pl
from jax.experimental.pallas import tpu as pltpu

_D_IN, _D_OUT = 128, 64
_LSH = [(16, 64), (32, 32)]
_NORM_BINS = 64
_NORM_THRESHOLD = 0.1
_TB = 1024


def _lsh_consts_np(num_proj, num_bins, seed):
    rng = np.random.RandomState(seed)
    pm = rng.randn(_D_IN, num_proj).astype(np.float32)
    pm = pm / np.linalg.norm(pm, axis=0, keepdims=True)
    res = 2.0 / num_bins
    grid = (np.linspace(-1.0, 1.0, num_bins + 1)[:-1] + 0.5 * res).astype(np.float32)
    return pm, grid


_PM0, _GRID0 = _lsh_consts_np(16, 64, 100)
_PM1, _GRID1 = _lsh_consts_np(32, 32, 101)

_W0 = 16 * 65
_W1 = 32 * 33
_WLSH = _W0 + _W1
_WPAD = 2176
_PMT = np.zeros((_D_IN, _WPAD), dtype=np.float32)
_PMT[:, :_W0] = np.repeat(_PM0, 65, axis=1)
_PMT[:, _W0:_WLSH] = np.repeat(_PM1, 33, axis=1)
_THRESH = np.full((1, _WPAD), 1e30, dtype=np.float32)
_THRESH[0, :_W0] = np.tile(np.concatenate([[-1e30], _GRID0]).astype(np.float32), 16)
_THRESH[0, _W0:_WLSH] = np.tile(np.concatenate([[-1e30], _GRID1]).astype(np.float32), 32)
_NTHRESH = np.full((1, _NORM_BINS), -1e30, dtype=np.float32)
_NTHRESH[0, 1:] = np.linspace(0.0, 1.0, _NORM_BINS + 1)[1:-1].astype(np.float32)

_SEGMASK0 = (np.arange(_W0) % 65 != 0).astype(np.float32)[:, None]
_SEGMASK1 = (np.arange(_W1) % 33 != 0).astype(np.float32)[:, None]
_SEGMASKN = (np.arange(_NORM_BINS) != 0).astype(np.float32)[:, None]


def _tower_kernel(ids_ref, x_ref, wcat_ref, bm_ref, thresh_ref, dtab_ref,
                  nthresh_ref, dtn_ref, wp_ref, emb_ref, prod_ref, mask_ref):
    x = x_ref[...]
    n2 = jnp.sum(x * x, axis=1, keepdims=True)
    nrm = jnp.sqrt(n2)
    xn = x / jnp.maximum(nrm, 1e-12)
    hi = jax.lax.Precision.HIGHEST
    y = jnp.dot(xn, wcat_ref[...], preferred_element_type=jnp.float32)
    ge = (y[:, :_WPAD] > thresh_ref[...]).astype(jnp.float32)
    lsh = jnp.dot(ge, dtab_ref[...], preferred_element_type=jnp.float32,
                  precision=hi)
    emb = y[:, _WPAD:] + bm_ref[...]
    gn = (nrm > nthresh_ref[...]).astype(jnp.float32)
    hist = jnp.dot(gn, dtn_ref[...], preferred_element_type=jnp.float32,
                   precision=hi)
    e = emb + lsh + hist
    m = jnp.logical_or(nrm < _NORM_THRESHOLD, ids_ref[...] == 0)
    e = jnp.where(m, 0.0, e)
    emb_ref[...] = e
    prod_ref[...] = jnp.dot(e, wp_ref[...], preferred_element_type=jnp.float32,
                            precision=hi)
    mask_ref[...] = m


def kernel(ids, x, Wm, bm, emb_table0, emb_table1, norm_table, Wp):
    B, S = ids.shape
    N = B * S
    G = N // _TB
    x2 = x.reshape(N, _D_IN)
    ids2 = ids.reshape(N, 1)

    wcat = jnp.concatenate([jnp.asarray(_PMT), Wm], axis=1)
    dt0 = emb_table0 - jnp.roll(emb_table0, 1, axis=0) * jnp.asarray(_SEGMASK0)
    dt1 = emb_table1 - jnp.roll(emb_table1, 1, axis=0) * jnp.asarray(_SEGMASK1)
    dtab = jnp.concatenate(
        [dt0, dt1, jnp.zeros((_WPAD - _WLSH, _D_OUT), jnp.float32)], axis=0)
    dtn = norm_table - jnp.roll(norm_table, 1, axis=0) * jnp.asarray(_SEGMASKN)
    bm2 = bm.reshape(1, _D_OUT)

    full = lambda shape: pl.BlockSpec(shape, lambda i: (0, 0))
    emb2, prod2, mask2 = pl.pallas_call(
        _tower_kernel,
        grid=(G,),
        in_specs=[
            pl.BlockSpec((_TB, 1), lambda i: (i, 0)),
            pl.BlockSpec((_TB, _D_IN), lambda i: (i, 0)),
            full(wcat.shape),
            full((1, _D_OUT)),
            full((1, _WPAD)),
            full(dtab.shape),
            full((1, _NORM_BINS)),
            full(dtn.shape),
            full(Wp.shape),
        ],
        out_specs=[
            pl.BlockSpec((_TB, _D_OUT), lambda i: (i, 0)),
            pl.BlockSpec((_TB, _D_OUT), lambda i: (i, 0)),
            pl.BlockSpec((_TB, 1), lambda i: (i, 0)),
        ],
        out_shape=[
            jax.ShapeDtypeStruct((N, _D_OUT), jnp.float32),
            jax.ShapeDtypeStruct((N, _D_OUT), jnp.float32),
            jax.ShapeDtypeStruct((N, 1), jnp.bool_),
        ],
        compiler_params=pltpu.CompilerParams(
            dimension_semantics=("parallel",)),
    )(ids2, x2, wcat, bm2, jnp.asarray(_THRESH), dtab,
      jnp.asarray(_NTHRESH), dtn, Wp)

    return emb2.reshape(B, S, _D_OUT), prod2.reshape(B, S, _D_OUT), mask2.reshape(B, S)

# --- scband reference (transcript-rebuilt; emitter-appended) ---
"""Pipeline reference for scband-product-tower-29042568855740 (READ-ONLY COPY).

The authoritative reference and input builder live on the scoring server;
editing this copy changes nothing except your own understanding.
"""

import jax, jax.numpy as jnp
import numpy as np

B, S = 4096, 50
D_IN, D_OUT, D_PROD = 128, 64, 64
LSH = [(16, 64), (32, 32)]  # (num_proj, num_bins) per CosineVectorEmbedding
NORM_BINS = 64
NORM_THRESHOLD = 0.1


def _lsh_consts(num_proj, num_bins, seed):
    # Deterministic registered buffers of CosineVectorEmbedding:
    # column-normalized random projection matrix, bin grid, per-projection index offsets.
    rng = np.random.RandomState(seed)
    pm = rng.randn(D_IN, num_proj).astype(np.float32)
    pm = pm / np.linalg.norm(pm, axis=0, keepdims=True)
    res = 2.0 / num_bins
    grid = (np.linspace(-1.0, 1.0, num_bins + 1)[:-1] + 0.5 * res).astype(np.float32)
    offset = ((num_bins + 1) * np.arange(num_proj)).astype(np.int32)
    return jnp.asarray(pm), jnp.asarray(grid), jnp.asarray(offset)


def setup_inputs(seed: int = 0) -> dict:
    key = jax.random.key(seed)
    ks = jax.random.split(key, 8)
    ids = jax.random.randint(ks[0], (B, S), 0, 100000, dtype=jnp.int32)
    x = jax.random.normal(ks[1], (B, S, D_IN), dtype=jnp.float32)
    Wm = jax.random.normal(ks[2], (D_IN, D_OUT), dtype=jnp.float32) * (1.0 / np.sqrt(D_IN))
    bm = jnp.zeros((D_OUT,), dtype=jnp.float32)
    tables = []
    for i, (npj, nb) in enumerate(LSH):
        t = jax.random.normal(ks[3 + i], ((nb + 1) * npj, D_OUT), dtype=jnp.float32) * 0.02
        t = t.at[0].set(0.0)  # EmbeddingBag padding_idx=0
        tables.append(t)
    norm_table = jax.random.normal(ks[5], (NORM_BINS, D_OUT), dtype=jnp.float32) * 0.02
    Wp = jax.random.normal(ks[6], (D_OUT, D_PROD), dtype=jnp.float32) * (1.0 / np.sqrt(D_OUT))
    return {"ids": ids, "x": x, "Wm": Wm, "bm": bm,
            "emb_table0": tables[0], "emb_table1": tables[1],
            "norm_table": norm_table, "Wp": Wp}


def _cosine_embed(xn, pm, grid, offset, table):
    cos = jnp.einsum('bsd,dp->bsp', xn, pm)
    # torch.bucketize(right=False) == searchsorted side='left'
    z = jnp.searchsorted(grid, cos, side='left').astype(jnp.int32) + offset
    g = jnp.take(table, z, axis=0)  # (B, S, P, D_OUT)
    g = jnp.where((z == 0)[..., None], 0.0, g)  # padding_idx=0 contributes zero
    return g.sum(axis=2)


def reference(ids, x, Wm, bm, emb_table0, emb_table1, norm_table, Wp):
    x = jax.lax.stop_gradient(x)  # x.detach()
    x_norm = jnp.linalg.norm(x, axis=-1)
    mask = jnp.logical_or(x_norm < NORM_THRESHOLD, ids == 0)
    xn = x / jnp.maximum(x_norm, 1e-12)[..., None]  # F.normalize
    emb = jnp.einsum('bsd,do->bso', xn, Wm) + bm
    tabs = [emb_table0, emb_table1]
    for i, (npj, nb) in enumerate(LSH):
        pm, grid, offset = _lsh_consts(npj, nb, 100 + i)
        emb = emb + _cosine_embed(xn, pm, grid, offset, tabs[i])
    # HistogramEmbedding(0, 1, NORM_BINS) on the (pre-normalize) vector norm
    nb_grid = jnp.asarray(np.linspace(0.0, 1.0, NORM_BINS + 1)[1:-1].astype(np.float32))
    nidx = jnp.searchsorted(nb_grid, x_norm, side='left').astype(jnp.int32)
    emb = emb + jnp.take(norm_table, nidx, axis=0)
    emb = jnp.where(mask[..., None], 0.0, emb)  # masked_fill
    prod_emb = jnp.einsum('bso,op->bsp', emb, Wp)  # product_mapper (no bias)
    return emb, prod_emb, mask

if __name__ == "__main__":
    import jax
    _d = setup_inputs()
    print(jax.jit(kernel)(*tuple(_d.values())))

</pallas_src>

<mosaic_0001>
module attributes {stable_mosaic.version = 14 : i64} {
  func.func @_tower_kernel(%arg0: i32, %arg1: memref<1024x1xi32, #tpu.memory_space<vmem>>, %arg2: memref<1024x128xf32, #tpu.memory_space<vmem>>, %arg3: memref<128x2240xf32, #tpu.memory_space<vmem>>, %arg4: memref<1x64xf32, #tpu.memory_space<vmem>>, %arg5: memref<1x2176xf32, #tpu.memory_space<vmem>>, %arg6: memref<2176x64xf32, #tpu.memory_space<vmem>>, %arg7: memref<1x64xf32, #tpu.memory_space<vmem>>, %arg8: memref<64x64xf32, #tpu.memory_space<vmem>>, %arg9: memref<64x64xf32, #tpu.memory_space<vmem>>, %arg10: memref<1024x64xf32, #tpu.memory_space<vmem>>, %arg11: memref<1024x64xf32, #tpu.memory_space<vmem>>, %arg12: memref<1024x1xi32, #tpu.memory_space<vmem>>) attributes {dimension_semantics = [#tpu.dimension_semantics<parallel>], iteration_bounds = array<i64: 200>, scalar_prefetch = 0 : i64, scratch_operands = 0 : i64, tpu.core_type = #tpu.core_type<tc>, window_params = [{transform_indices = @transform_0, window_bounds = array<i64: 1024, 1>}, {transform_indices = @transform_1, window_bounds = array<i64: 1024, 128>}, {pipeline_mode = #tpu.pipeline_mode<synchronous>, transform_indices = @transform_2, window_bounds = array<i64: 128, 2240>}, {pipeline_mode = #tpu.pipeline_mode<synchronous>, transform_indices = @transform_3, window_bounds = array<i64: 1, 64>}, {pipeline_mode = #tpu.pipeline_mode<synchronous>, transform_indices = @transform_4, window_bounds = array<i64: 1, 2176>}, {pipeline_mode = #tpu.pipeline_mode<synchronous>, transform_indices = @transform_5, window_bounds = array<i64: 2176, 64>}, {pipeline_mode = #tpu.pipeline_mode<synchronous>, transform_indices = @transform_6, window_bounds = array<i64: 1, 64>}, {pipeline_mode = #tpu.pipeline_mode<synchronous>, transform_indices = @transform_7, window_bounds = array<i64: 64, 64>}, {pipeline_mode = #tpu.pipeline_mode<synchronous>, transform_indices = @transform_8, window_bounds = array<i64: 64, 64>}, {transform_indices = @transform_9, window_bounds = array<i64: 1024, 64>}, {transform_indices = @transform_10, window_bounds = array<i64: 1024, 64>}, {transform_indices = @transform_11, window_bounds = array<i64: 1024, 1>}]} {
    %get3A = arith.constant 0 : index
    %get3A_0 = arith.constant 0 : index
    %get3A_1 = vector.load %arg2[%get3A, %get3A_0] : memref<1024x128xf32, #tpu.memory_space<vmem>>, vector<1024x128xf32>
    %mul3A = arith.mulf %get3A_1, %get3A_1 : vector<1024x128xf32>
    %reduce_sum3A = arith.constant dense<0.000000e+00> : vector<1024xf32>
    %reduce_sum3A_2 = vector.multi_reduction <add>, %mul3A, %reduce_sum3A [1] : vector<1024x128xf32> to vector<1024xf32>
    %broadcast_in_dim3A = vector.shape_cast %reduce_sum3A_2 : vector<1024xf32> to vector<1024x1xf32>
    %sqrt3A = math.sqrt %broadcast_in_dim3A : vector<1024x1xf32>
    %max3A = arith.constant 9.99999996E-13 : f32
    %max3A_3 = vector.broadcast %max3A : f32 to vector<1024x1xf32>
    %max3A_4 = arith.maximumf %sqrt3A, %max3A_3 : vector<1024x1xf32>
    %div3A = vector.broadcast %max3A_4 : vector<1024x1xf32> to vector<1024x128xf32>
    %div3A_5 = arith.divf %get3A_1, %div3A : vector<1024x128xf32>
    %get3A_6 = arith.constant 0 : index
    %get3A_7 = arith.constant 0 : index
    %get3A_8 = vector.load %arg3[%get3A_6, %get3A_7] : memref<128x2240xf32, #tpu.memory_space<vmem>>, vector<128x2240xf32>
    %dot_general3A = arith.constant dense<0.000000e+00> : vector<1024x2240xf32>
    %dot_general3A_9 = tpu.matmul %div3A_5, %get3A_8, %dot_general3A {dimension_numbers = #tpu.dot_dimension_numbers<[1], [0], [0], [1], [0, 0, 1, 1], [], []>, transpose_lhs_hint = false} : vector<1024x128xf32>, vector<128x2240xf32>, vector<1024x2240xf32> -> vector<1024x2240xf32>
    %slice3A = vector.extract_strided_slice %dot_general3A_9 {offsets = [0, 0], sizes = [1024, 2176], strides = [1, 1]} : vector<1024x2240xf32> to vector<1024x2176xf32>
    %get3A_10 = arith.constant 0 : index
    %get3A_11 = arith.constant 0 : index
    %get3A_12 = vector.load %arg5[%get3A_10, %get3A_11] : memref<1x2176xf32, #tpu.memory_space<vmem>>, vector<1x2176xf32>
    %gt3A = vector.broadcast %get3A_12 : vector<1x2176xf32> to vector<1024x2176xf32>
    %gt3A_13 = arith.cmpf ogt, %slice3A, %gt3A : vector<1024x2176xf32>
    %convert_element_type3A = arith.extui %gt3A_13 : vector<1024x2176xi1> to vector<1024x2176xi32>
    %convert_element_type3A_14 = arith.sitofp %convert_element_type3A : vector<1024x2176xi32> to vector<1024x2176xf32>
    %get3A_15 = arith.constant 0 : index
    %get3A_16 = arith.constant 0 : index
    %get3A_17 = vector.load %arg6[%get3A_15, %get3A_16] : memref<2176x64xf32, #tpu.memory_space<vmem>>, vector<2176x64xf32>
    %dot_general3A_18 = arith.constant dense<0.000000e+00> : vector<1024x64xf32>
    %dot_general3A_19 = tpu.matmul %convert_element_type3A_14, %get3A_17, %dot_general3A_18 {dimension_numbers = #tpu.dot_dimension_numbers<[1], [0], [0], [1], [0, 0, 1, 1], [], []>, precision = #tpu.contract_precision<fp32>, transpose_lhs_hint = false} : vector<1024x2176xf32>, vector<2176x64xf32>, vector<1024x64xf32> -> vector<1024x64xf32>
    %slice3A_20 = vector.extract_strided_slice %dot_general3A_9 {offsets = [0, 2176], sizes = [1024, 64], strides = [1, 1]} : vector<1024x2240xf32> to vector<1024x64xf32>
    %get3A_21 = arith.constant 0 : index
    %get3A_22 = arith.constant 0 : index
    %get3A_23 = vector.load %arg4[%get3A_21, %get3A_22] : memref<1x64xf32, #tpu.memory_space<vmem>>, vector<1x64xf32>
    %add3A = vector.broadcast %get3A_23 : vector<1x64xf32> to vector<1024x64xf32>
    %add3A_24 = arith.addf %slice3A_20, %add3A : vector<1024x64xf32>
    %get3A_25 = arith.constant 0 : index
    %get3A_26 = arith.constant 0 : index
    %get3A_27 = vector.load %arg7[%get3A_25, %get3A_26] : memref<1x64xf32, #tpu.memory_space<vmem>>, vector<1x64xf32>
    %gt3A_28 = vector.broadcast %sqrt3A : vector<1024x1xf32> to vector<1024x64xf32>
    %gt3A_29 = vector.broadcast %get3A_27 : vector<1x64xf32> to vector<1024x64xf32>
    %gt3A_30 = arith.cmpf ogt, %gt3A_28, %gt3A_29 : vector<1024x64xf32>
    %convert_element_type3A_31 = arith.extui %gt3A_30 : vector<1024x64xi1> to vector<1024x64xi32>
    %convert_element_type3A_32 = arith.sitofp %convert_element_type3A_31 : vector<1024x64xi32> to vector<1024x64xf32>
    %get3A_33 = arith.constant 0 : index
    %get3A_34 = arith.constant 0 : index
    %get3A_35 = vector.load %arg8[%get3A_33, %get3A_34] : memref<64x64xf32, #tpu.memory_space<vmem>>, vector<64x64xf32>
    %dot_general3A_36 = arith.constant dense<0.000000e+00> : vector<1024x64xf32>
    %dot_general3A_37 = tpu.matmul %convert_element_type3A_32, %get3A_35, %dot_general3A_36 {dimension_numbers = #tpu.dot_dimension_numbers<[1], [0], [0], [1], [0, 0, 1, 1], [], []>, precision = #tpu.contract_precision<fp32>, transpose_lhs_hint = false} : vector<1024x64xf32>, vector<64x64xf32>, vector<1024x64xf32> -> vector<1024x64xf32>
    %add3A_38 = arith.addf %add3A_24, %dot_general3A_19 : vector<1024x64xf32>
    %add3A_39 = arith.addf %add3A_38, %dot_general3A_37 : vector<1024x64xf32>
    %lt3A = arith.constant 1.000000e-01 : f32
    %lt3A_40 = vector.broadcast %lt3A : f32 to vector<1024x1xf32>
    %lt3A_41 = arith.cmpf olt, %sqrt3A, %lt3A_40 : vector<1024x1xf32>
    %get3A_42 = arith.constant 0 : index
    %get3A_43 = arith.constant 0 : index
    %get3A_44 = vector.load %arg1[%get3A_42, %get3A_43] : memref<1024x1xi32, #tpu.memory_space<vmem>>, vector<1024x1xi32>
    %eq3A = arith.constant 0 : i32
    %eq3A_45 = vector.broadcast %eq3A : i32 to vector<1024x1xi32>
    %eq3A_46 = arith.cmpi eq, %get3A_44, %eq3A_45 : vector<1024x1xi32>
    %or3A = arith.ori %lt3A_41, %eq3A_46 : vector<1024x1xi1>
    %jit3A = arith.constant 0.000000e+00 : f32
    %broadcast_in_dim3A_47 = vector.shape_cast %or3A : vector<1024x1xi1> to vector<1024x1xi1>
    %broadcast_in_dim3A_48 = vector.broadcast %broadcast_in_dim3A_47 : vector<1024x1xi1> to vector<1024x64xi1>
    %broadcast_in_dim3A_49 = vector.broadcast %jit3A : f32 to vector<1024x64xf32>
    %select_n3A = arith.select %broadcast_in_dim3A_48, %broadcast_in_dim3A_49, %add3A_39 : vector<1024x64xi1>, vector<1024x64xf32>
    %swap3A = arith.constant 0 : index
    %swap3A_50 = arith.constant 0 : index
    %swap3A_51 = vector.load %arg10[%swap3A, %swap3A_50] : memref<1024x64xf32, #tpu.memory_space<vmem>>, vector<1024x64xf32>
    tpu.vector_store %arg10[%swap3A, %swap3A_50], %select_n3A {strides = array<i32>} : memref<1024x64xf32, #tpu.memory_space<vmem>>, vector<1024x64xf32>,
    %get3A_52 = arith.constant 0 : index
    %get3A_53 = arith.constant 0 : index
    %get3A_54 = vector.load %arg9[%get3A_52, %get3A_53] : memref<64x64xf32, #tpu.memory_space<vmem>>, vector<64x64xf32>
    %dot_general3A_55 = arith.constant dense<0.000000e+00> : vector<1024x64xf32>
    %dot_general3A_56 = tpu.matmul %select_n3A, %get3A_54, %dot_general3A_55 {dimension_numbers = #tpu.dot_dimension_numbers<[1], [0], [0], [1], [0, 0, 1, 1], [], []>, precision = #tpu.contract_precision<fp32>, transpose_lhs_hint = false} : vector<1024x64xf32>, vector<64x64xf32>, vector<1024x64xf32> -> vector<1024x64xf32>
    %swap3A_57 = arith.constant 0 : index
    %swap3A_58 = arith.constant 0 : index
    %swap3A_59 = vector.load %arg11[%swap3A_57, %swap3A_58] : memref<1024x64xf32, #tpu.memory_space<vmem>>, vector<1024x64xf32>
    tpu.vector_store %arg11[%swap3A_57, %swap3A_58], %dot_general3A_56 {strides = array<i32>} : memref<1024x64xf32, #tpu.memory_space<vmem>>, vector<1024x64xf32>,
    %swap3A_60 = arith.constant 0 : index
    %swap3A_61 = arith.constant 0 : index
    %swap3A_62 = vector.load %arg12[%swap3A_60, %swap3A_61] : memref<1024x1xi32, #tpu.memory_space<vmem>>, vector<1024x1xi32>
    %swap3A_63 = arith.extui %or3A : vector<1024x1xi1> to vector<1024x1xi32>
    %swap3A_64 = arith.constant dense<0> : vector<1024x1xi32>
    %swap3A_65 = arith.cmpi ne, %swap3A_62, %swap3A_64 : vector<1024x1xi32>
    tpu.vector_store %arg12[%swap3A_60, %swap3A_61], %swap3A_63 {strides = array<i32>} : memref<1024x1xi32, #tpu.memory_space<vmem>>, vector<1024x1xi32>,
    return
  }
  func.func @transform_0(%arg0: i32) -> (i32, i32) {
    %c0_i32 = arith.constant 0 : i32
    %c0_i32_0 = arith.constant 0 : i32
    return %arg0, %c0_i32 : i32, i32
  }
  func.func @transform_1(%arg0: i32) -> (i32, i32) {
    %c0_i32 = arith.constant 0 : i32
    %c0_i32_0 = arith.constant 0 : i32
    return %arg0, %c0_i32 : i32, i32
  }
  func.func @transform_2(%arg0: i32) -> (i32, i32) {
    %c0_i32 = arith.constant 0 : i32
    %c0_i32_0 = arith.constant 0 : i32
    %c0_i32_1 = arith.constant 0 : i32
    return %c0_i32, %c0_i32_0 : i32, i32
  }
  func.func @transform_3(%arg0: i32) -> (i32, i32) {
    %c0_i32 = arith.constant 0 : i32
    %c0_i32_0 = arith.constant 0 : i32
    %c0_i32_1 = arith.constant 0 : i32
    return %c0_i32, %c0_i32_0 : i32, i32
  }
  func.func @transform_4(%arg0: i32) -> (i32, i32) {
    %c0_i32 = arith.constant 0 : i32
    %c0_i32_0 = arith.constant 0 : i32
    %c0_i32_1 = arith.constant 0 : i32
    return %c0_i32, %c0_i32_0 : i32, i32
  }
  func.func @transform_5(%arg0: i32) -> (i32, i32) {
    %c0_i32 = arith.constant 0 : i32
    %c0_i32_0 = arith.constant 0 : i32
    %c0_i32_1 = arith.constant 0 : i32
    return %c0_i32, %c0_i32_0 : i32, i32
  }
  func.func @transform_6(%arg0: i32) -> (i32, i32) {
    %c0_i32 = arith.constant 0 : i32
    %c0_i32_0 = arith.constant 0 : i32
    %c0_i32_1 = arith.constant 0 : i32
    return %c0_i32, %c0_i32_0 : i32, i32
  }
  func.func @transform_7(%arg0: i32) -> (i32, i32) {
    %c0_i32 = arith.constant 0 : i32
    %c0_i32_0 = arith.constant 0 : i32
    %c0_i32_1 = arith.constant 0 : i32
    return %c0_i32, %c0_i32_0 : i32, i32
  }
  func.func @transform_8(%arg0: i32) -> (i32, i32) {
    %c0_i32 = arith.constant 0 : i32
    %c0_i32_0 = arith.constant 0 : i32
    %c0_i32_1 = arith.constant 0 : i32
    return %c0_i32, %c0_i32_0 : i32, i32
  }
  func.func @transform_9(%arg0: i32) -> (i32, i32) {
    %c0_i32 = arith.constant 0 : i32
    %c0_i32_0 = arith.constant 0 : i32
    return %arg0, %c0_i32 : i32, i32
  }
  func.func @transform_10(%arg0: i32) -> (i32, i32) {
    %c0_i32 = arith.constant 0 : i32
    %c0_i32_0 = arith.constant 0 : i32
    return %arg0, %c0_i32 : i32, i32
  }
  func.func @transform_11(%arg0: i32) -> (i32, i32) {
    %c0_i32 = arith.constant 0 : i32
    %c0_i32_0 = arith.constant 0 : i32
    return %arg0, %c0_i32 : i32, i32
  }
}

</mosaic_0001>

<sc_bundles>
// kernel: sparse-core-data-format-call.1.cloned.1.call-start
scs
called_computation.1_lowered:
.L_overlay_start_0:
0x0: {  	s2 =	sld [smem:$0x3FD9]  }
0x1: {  	s3 =	sld [smem:$0x3FFE];
	_ =	sdelay $0x1  }
0x2: {  	s1 =	srdreg.scid  }
0x3: {  	s0 =	sand.u32 $0x1, s1  }
0x4: {  	s15 =	sshll.u32 s0, $0xA;
	s2 =	sadd.s32 s3, s2  }
0x5: {  	s2 =	sadd.s32 s2, s15  }
0x6: {  	[smem:$0x3FC0] =	sst s2  }
0x7: {  	_ = 	snop  }
0x8: {  	s2 =	sld [smem:$0x3FD0];
	_ =	sdelay $0x2  }
0x9: {  	s16 =	simm.s32 $0xB;
	s4 =	simm.s32 $0x10  }
0xa: {  	[smem:s4], [sflag:s16] =	dma.local [hbm:s2], $0x1  }
0xb: {  	_ =	swait.eq [sflag:s16], $0x1  }
0xc: {  	[sflag:s16] =	ssyncset.done $0x0  }
0xd: {  	[sflag:s16] =	ssyncadd.s32 $0xFFFFFFFF  }
0xe: {  	s17 =	sld [smem:$0x10];
	(tm) =	ssettm $0x1  }
0xf: {  	s18 =	sld [smem:$0x3FFB];
	_ =	sdelay $0x3  }
0x10: {  	_ =	strace s18  }
0x11: {  	s3 =	sld [smem:$0x3FFC];
	_ =	sdelay $0x3  }
0x12: {  	_ =	strace s3  }
0x13: {  	s3 =	sld [smem:$0x3FFD];
	_ =	sdelay $0x3  }
0x14: {  	_ =	strace s3  }
0x15: {  	_ =	strace $0x8FFFFFFF  }
0x16: {  	s19 =	sld [smem:$0x3FDB];
	_ =	sdelay $0x1  }
0x17: {  	s20 =	simm.s32 $_scs_section_size  }
0x18: {  	s5 =	simm.s32 $_size__tile_overlayer_lowered;
	s6 =	simm.s32 $_tile_overlayer_lowered  }
0x19: {  	s23 =	simm.s32 $0x1BFF;
	s22 =	sshll.u32 s6, $0x1;
	s3 =	sadd.s32 s20, s19  }
0x1a: {  	s7 =	simm.s32 $0x0;
	s21 =	sshll.u32 s5, $0x1;
	s5 =	sadd.s32 s22, s3  }
0x1b: {  	[timem:s7], [sflag:s23] =	dma.local [hbm:s5], s21  }
0x1c: {  	_ =	swait.ge [sflag:s23], s21  }
0x1d: {  	s4 =	ssub.s32 $0x0, s21;
	[sflag:s23] =	ssyncset.done $0x0  }
0x1e: {  	[sflag:s23] =	ssyncadd.s32 s4;
	_ =	sdelay $0x1  }
0x1f: {  	s24 =	simm.s32 $0x1B8B  }
0x20: {  	_ =	swait.ge [sflag:s24], $0x1  }
0x21: {  	[sflag:s24] =	ssyncset.done $0x0  }
0x22: {  	s26 =	simm.s32 $0x1B8E;
	s25 =	sld [smem:$0x3FFE];
	[sflag:s24] =	ssyncadd.s32 $0xFFFFFFFF  }
0x23: {  	s27 =	simm.s32 $execute0_lowered;
	[smem:$0x3FD2] =	sst s26  }
0x24: {  	s5 =	sshll.u32 s27, $0x1;
	_ =	strace $0x80000046;
	[dreg:$0x1] =	wrdreg $0xFFFFFFFF  }
0x25: {  	s28 =	simm.s32 $_size_execute0_lowered;
	s3 =	sadd.s32 s3, s5;
	[dreg:$0x0] =	wrdreg $0x0  }
0x26: {  	s5 =	sshll.u32 s28, $0x1;
	[dreg:$0x2] =	wrdreg s3  }
0x27: {  	[dreg:$0x3] =	wrdreg s5  }
0x28: {  	[dreg:$0x4] =	wrdreg $0xC0  }
0x29: {  	_ =	task [dreg:s7], $0x5FFFF  }
0x2a: {  	[dreg:$0x1] =	wrdreg $0xFFFFFFFF  }
0x2b: {  	[dreg:$0x0] =	wrdreg $0x60  }
0x2c: {  	[dreg:$0x2] =	wrdreg s25  }
0x2d: {  	[dreg:$0x3] =	wrdreg s17  }
0x2e: {  	[dreg:$0x4] =	wrdreg $0xA  }
0x2f: {  	_ =	task.clear_ibuf [dreg:s7], $0x5FFFF;
	_ =	strace $0x90000046  }
0x30: {  	s29 =	simm.s32 $0xA;
	_ =	strace $0x80000048  }
0x31: {  	_ =	swait.ge [sflag:s29], $0x1  }
0x32: {  	[sflag:s29] =	ssyncadd.s32 $0xFFFFFFFF  }
0x33: {  	_ =	strace $0x90000048  }
0x34: {  	_ =	sfence  }
0x35: {  	s30 =	sld [smem:$0x0];
	_ =	sdelay $0x2  }
0x36: {  	s31 =	sshll.u32 s1, $0xD;
	s1 =	sshrl.u32 s1, $0x2  }
0x37: {  	s3 =	sand.u32 $0x4000, s31;
	s1 =	sadd.s32 s1, s30  }
0x38: {  	s0 =	sor.u32 s3, s0;
	s1 =	sshll.u32 s1, $0x11  }
0x39: {  	s0 =	sor.u32 s1, s0  }
0x3a: {  	s0 =	sadd.s32 $0x8F2B, s0  }
0x3b: {  	[sflag:s0] =	ssyncadd.remote.s32 $0x1  }
0x3c: {  	_ =	sfence.sel $0xFFFF  }
0x3d: {  	[dreg:$0x0] =	wrdreg $0xFFFFFFFF;
	(pc) =	sbr.abs _section_cstart, $3  }
0x3e: {  	[dreg:$0x1] =	wrdreg $0xFFFFFFFF  }
0x3f: {  	_ =	task.clear_ibuf [dreg:s7], $0x2FFFF;
	_ =	strace $0x9FFFFFFF  }
0x40: {  	(tm) =	ssettm $0x7FFFFFFF  }
0x41: {  	_ =	shalt  }
tec
execute0_lowered:
.L_overlay_start_1:
0x0: {  	(tag) =	ssettag $0x1  }
0x1: {  	s0 =	srdreg.scid  }
0x2: {  	s1 =	sshll.u32 s0, $0x4  }
0x3: {  	s0 =	stileid.u32;
	s1 =	sand.u32 $0x10, s1  }
0x4: {  	s1 =	sor.u32 s0, s1  }
0x5: {  	s6 =	rddreg [dreg:$0x0];
	s4 =	simm.s32 $0x1;
	s2 =	sshll.u32 s1, $0x7  }
0x6: {  	s7 =	simm.s32 $0x2;
	s12 =	simm.s32 $0x0;
	s1 =	ssub.s32 $0x1000, s2  }
0x7: {  	s8 =	simm.s32 $0x8000;
	s13 =	simm.s32 $0x0;
	s3 =	sand.u32 $0xF80, s1  }
0x8: {  	s9 =	simm.s32 $0x0;
	s5 =	sshrl.u32 s1, $0xC;
	p0 =	sne.s32 s3, $0x0  }
.Ltmp0:
0x9: {  	s1 =	rddreg [dreg:$0x2];
	s4 =	simm.s32 @!p0 $0x0;
	(pc) =	sbr.rel .LBB1_1-.Ltmp0, $4  }
0xa: {  	s11 =	simm.s32 $0x0;
	s3 =	rddreg [dreg:$0x1];
	s5 =	sadd.s32 s4, s5  }
0xb: {  	_ =	strace $0x80000047;
	s4 =	simm.s32 $0x1;
	s5 =	smul.u32 $0x32, s5  }
0xc: {  	s6 =	sadd.s32 $0x642E00, s6;
	s10 =	smov.u32 s2;
	[sflag:s4] =	ssyncpa.u1 $0x0  }
0xd: {  	p0 =	por $0x0, $0x0;
	[sflag:s7] =	ssyncpa.u1 $0x0;
	s7 =	sor.u32 $0x1, s5  }
.LBB1_4:
0xe: {  	s16 =	sshll.u32 s13, $0x3;
	s17 =	sand.u32 $0x78, s13  }
0xf: {  	s30 =	sand.u32 $0x7E00, s13;
	s12 =	sshll.u32 s12, $0xF;
	s16 =	sand.u32 $0xC00, s16  }
0x10: {  	[tilespmem:s15+$0x810 ss:$0x81] =	vst.msk $0xffff, v2;
	s31 =	sand.u32 $0x7, s13;
	s16 =	sor.u32 s17, s16;
	s17 =	sadd.s32 s3, s30  }
0x11: {  	[tilespmem:s15+$0x1020 ss:$0x81] =	vst.msk $0xffff, v0;
	s13 =	sshll.u32 s31, $0x12;
	s12 =	sadd.s32 s12, s17;
	s16 =	sshrl.u32 s16, $0x3  }
0x12: {  	[tilespmem:s15+$0x0 ss:$0x81] =	vst.msk $0xffff, v1;
	s13 =	sor.u32 $0x400, s13;
	s12 =	sadd.s32 s16, s12  }
0x13: {  	[hbm4b:s12+s13] =	stream.strided.scatter [tilespmem:s14], [sflag:$0x2], $0x2000, s8, s13, $0x20;
	[tilespmem:$0x8080] =	vst v63  }
.LBB1_5:
0x14: {  	s14 =	sadd.s32 $0x1, s9  }
0x15: {  	s12 =	sadd.s32 $0x1000, s10;
	s16 =	smov.u32 s10;
	p2 =	sgt.s32 s14, $0x31  }
0x16: {  	s16 =	smov.u32 @p2 s12  }
0x17: {  	s14 =	simm.s32 @p2 $0x0;
	p2 =	sgt.s32 s16, $0xFFF  }
0x18: {  	s16 =	smov.u32 @p2 s2;
	p2 =	sne.s32 s11, s7  }
.Ltmp1:
0x19: {  	p1 =	slt.u32 s11, $0x2;
	(pc) =	sbr.rel @!p2 .LBB1_6-.Ltmp1, $4  }
0x1a: {  	s15 =	simm.s32 @!p1 $0x2  }
0x1b: {  	s13 =	smov.u32 s10;
	p0 =	por !p0, !p0;
	_ =	swait.ge @!p1 [sflag:s15], $0x2000  }
0x1c: {  	s12 =	smov.u32 s9;
	[sflag:s15] =	ssyncset.done @!p1 $0x0;
	s9 =	smov.u32 s14  }
0x1d: {  	s11 =	sadd.s32 $0x1, s11;
	[sflag:s15] =	ssyncadd.s32 @!p1 $0xFFFFE000;
	s10 =	smov.u32 s16  }
.LBB1_1:
0x1e: {  	p1 =	sge.u32 s11, s5  }
0x1f: {  	s14 =	sand.u32 @!p1 $0x1FFFFFF, s9  }
0x20: {  	s15 =	smulhi.u32 @!p1 $0x4924925, s14;
	_ =	sdelay $0x1  }
0x21: {  	s15 =	smul.u32 @!p1 $0x38, s15  }
0x22: {  	s16 =	sxor.u32 @!p1 $0xFFFFFFFF, s11;
	s17 =	smul.u32 @!p1 $0x380, s10  }
0x23: {  	s31 =	sadd.s32 $0xFFFFFFFF, s11;
	s16 =	sshll.u32 @!p1 s16, $0xD;
	s14 =	ssub.s32 @!p1 s14, s15  }
0x24: {  	s15 =	sand.u32 @!p1 $0x2000, s16;
	s16 =	sadd.s32 @!p1 s6, s17;
	s14 =	sshll.u32 @!p1 s14, $0x4  }
0x25: {  	s17 =	simm.s32 @!p1 $0x1C00;
	s14 =	sadd.s32 @!p1 s14, s16;
	s16 =	simm.s32 @!p1 $0x40  }
0x26: {  	[tilespmem:s15], [sflag:$0x1] =	stream.strided.gather @!p1 [hbm4b:s14+s16], $0x2000, s17, s16, $0x38;
	[tilespmem:$0x8080] =	vst v63  }
0x27: {  	p1 =	sge.u32 s31, s5  }
.Ltmp2:
0x28: {  	_ = 	snop;
	(pc) =	sbr.rel @p1 .LBB1_5-.Ltmp2, $1  }
0x29: {  	_ =	sdelay $0x3  }
0x2a: {  	s14 =	simm.s32 $0x1  }
0x2b: {  	_ =	swait.ge [sflag:s4], $0x2000;
	s14 =	simm.s32 @!p0 $0x0  }
0x2c: {  	[sflag:s4] =	ssyncset.done $0x0;
	s15 =	sshll.u32 s14, $0xD  }
0x2d: {  	[sflag:s4] =	ssyncadd.s32 $0xFFFFE000;
	s18 =	sor.u32 $0x20, s15  }
0x2e: {  	s14 =	smul.u32 $0x8100, s14;
	v3 =	vld [tilespmem:s18+$0x10]  }
0x2f: {  	s30 =	sand.u32 $0x1, s11;
	v2 =	vld [tilespmem:s18+$0xFFFFFFF0]  }
0x30: {  	s15 =	smul.u32 $0x8100, s30;
	s14 =	sshrl.u32 s14, $0x2;
	v0 =	vld [tilespmem:s18+$0x0]  }
0x31: {  	v1 =	vld [tilespmem:s18+$0xFFFFFFE0];
	s16 =	sor.u32 $0x4000, s14  }
0x32: {  	s31 =	sshrl.u32 s15, $0x2;
	s15 =	sadd.s32 $0x0, s16  }
0x33: {  	s17 =	simm.s32 $0x4;
	s18 =	sadd.s32 $0x40, s18;
	s14 =	sor.u32 $0x4000, s31;
	[tilespmem:s15+$0x1830 ss:$0x81] =	vst.msk $0xffff, v3  }
.LBB1_3:
0x34: {  	v3 =	vld [tilespmem:s18+$0x10];
	p1 =	sne.s32 s17, $0x1FC;
	[tilespmem:s15+$0x810 ss:$0x81] =	vst.msk $0xffff, v2;
	s19 =	smov.u32 s17;
	s17 =	sadd.s32 $0x4, s17  }
.Ltmp3:
0x35: {  	v2 =	vld [tilespmem:s18+$0xFFFFFFF0];
	[tilespmem:s15+$0x1020 ss:$0x81] =	vst.msk $0xffff, v0;
	(pc) =	sbr.rel @p1 .LBB1_3-.Ltmp3, $4  }
0x36: {  	v0 =	vld [tilespmem:s18+$0x0];
	[tilespmem:s15+$0x0 ss:$0x81] =	vst.msk $0xffff, v1  }
0x37: {  	s15 =	sshra.s32 s19, $0x2;
	v1 =	vld [tilespmem:s18+$0xFFFFFFE0]  }
0x38: {  	s15 =	sadd.s32 s15, s16  }
0x39: {  	s18 =	sadd.s32 $0x40, s18;
	[tilespmem:s15+$0x1830 ss:$0x81] =	vst.msk $0xffff, v3  }
.Ltmp4:
0x3a: {  	_ = 	snop;
	(pc) =	sbr.rel .LBB1_4-.Ltmp4, $1  }
0x3b: {  	_ =	sdelay $0x3  }
.LBB1_6:
0x3c: {  	_ =	sfence.sel $0x180000  }
0x3d: {  	s2 =	simm.s32 $0x1;
	[bflag:$0x0] =	sbarrier.arrive $0xFFFF  }
0x3e: {  	s31 =	simm.s32 $0x2;
	[sflag:s2] =	ssyncpa.u1 $0x1  }
0x3f: {  	[sflag:s31] =	ssyncpa.u1 $0x1  }
0x40: {  	p0 =	sne.s32 s0, $0x0;
	_ =	strace $0x90000047  }
0x41: {  	s0 =	sadd.s32 @!p0 $0x100000, s1;
	[bflag:$0x2] =	sbarrier.arrive $0xFFFF  }
0x42: {  	[sflag:s0] =	ssyncadd.tile.s32 @!p0 $0x1;
	_ =	shalt  }
.Lfunc_end1:
_tile_overlayer_lowered:
.L_overlay_start_2:
0x43: {  	(tag) =	ssettag $0x2  }
0x44: {  	s0 =	rddreg [dreg:$0x0];
	s2 =	stileid.u32  }
0x45: {  	s1 =	rddreg [dreg:$0x1];
	p0 =	sne.s32 s2, $0x0  }
0x46: {  	s3 =	rddreg [dreg:$0x2];
	[bflag:$0x3] =	sbarrier.arrive $0xFFFF;
	s2 =	simm.s32 @!p0 $0x1C01  }
0x47: {  	[timem:s3], [sflag:s2] =	dma.local @!p0 [hbm:s0], s1  }
0x48: {  	s0 =	simm.s32 @!p0 $0x1  }
0x49: {  	_ =	swait.ge @!p0 [sflag:s0], s1  }
0x4a: {  	s1 =	ssub.s32 @!p0 $0x0, s1;
	[sflag:s0] =	ssyncset.done @!p0 $0x0  }
0x4b: {  	[sflag:s0] =	ssyncadd.s32 @!p0 s1  }
0x4c: {  	[bflag:$0x3] =	sbarrier.arrive $0xFFFF  }
0x4d: {  	_ =	shalt  }

// kernel: sparse-core-data-format-call.cloned.1.call-start
scs
called_computation_lowered:
.L_overlay_start_0:
0x0: {  	s2 =	sld [smem:$0x3FD9]  }
0x1: {  	s3 =	sld [smem:$0x3FFE];
	_ =	sdelay $0x1  }
0x2: {  	s1 =	srdreg.scid  }
0x3: {  	s0 =	sand.u32 $0x1, s1  }
0x4: {  	s16 =	sshll.u32 s0, $0xA;
	s2 =	sadd.s32 s3, s2  }
0x5: {  	s2 =	sadd.s32 s2, s16  }
0x6: {  	[smem:$0x3FC0] =	sst s2  }
0x7: {  	_ = 	snop  }
0x8: {  	s2 =	sld [smem:$0x3FD0];
	_ =	sdelay $0x2  }
0x9: {  	s17 =	simm.s32 $0xB;
	s4 =	simm.s32 $0x10  }
0xa: {  	[smem:s4], [sflag:s17] =	dma.local [hbm:s2], $0x1  }
0xb: {  	_ =	swait.eq [sflag:s17], $0x1  }
0xc: {  	[sflag:s17] =	ssyncset.done $0x0  }
0xd: {  	[sflag:s17] =	ssyncadd.s32 $0xFFFFFFFF  }
0xe: {  	s18 =	sld [smem:$0x11];
	(tm) =	ssettm $0x1  }
0xf: {  	s19 =	sld [smem:$0x3FFB];
	_ =	sdelay $0x3  }
0x10: {  	_ =	strace s19  }
0x11: {  	s2 =	sld [smem:$0x3FFC];
	_ =	sdelay $0x3  }
0x12: {  	_ =	strace s2  }
0x13: {  	s2 =	sld [smem:$0x3FFD];
	_ =	sdelay $0x3  }
0x14: {  	_ =	strace s2  }
0x15: {  	_ =	strace $0x8FFFFFFF  }
0x16: {  	s20 =	sld [smem:$0x3FDB];
	_ =	sdelay $0x1  }
0x17: {  	s21 =	simm.s32 $_scs_section_size  }
0x18: {  	s5 =	simm.s32 $_size__tile_overlayer_lowered;
	s6 =	simm.s32 $_tile_overlayer_lowered  }
0x19: {  	s7 =	simm.s32 $0x1BFF;
	s22 =	sshll.u32 s6, $0x1;
	s4 =	sadd.s32 s21, s20  }
0x1a: {  	s23 =	simm.s32 $0x0;
	s5 =	sshll.u32 s5, $0x1;
	s6 =	sadd.s32 s22, s4  }
0x1b: {  	[timem:s23], [sflag:s7] =	dma.local [hbm:s6], s5  }
0x1c: {  	_ =	swait.ge [sflag:s7], s5  }
0x1d: {  	s5 =	ssub.s32 $0x0, s5;
	[sflag:s7] =	ssyncset.done $0x0  }
0x1e: {  	[sflag:s7] =	ssyncadd.s32 s5;
	_ =	sdelay $0x1  }
0x1f: {  	s24 =	simm.s32 $0x1B8B  }
0x20: {  	_ =	swait.ge [sflag:s24], $0x1  }
0x21: {  	[sflag:s24] =	ssyncset.done $0x0  }
0x22: {  	[sflag:s24] =	ssyncadd.s32 $0xFFFFFFFF  }
0x23: {  	s5 =	sld [smem:$0x0]  }
0x24: {  	s6 =	sand.u32 $0xFFFFFFFE, s1  }
0x25: {  	p0 =	sne.s32 s1, s6  }
0x26: {  	s6 =	sshll.u32 @p0 s6, $0xE  }
0x27: {  	s6 =	sadd.s32 @p0 $0x11B8D, s6;
	s7 =	sshll.u32 @p0 s5, $0x11  }
0x28: {  	s6 =	sor.u32 @p0 s7, s6  }
0x29: {  	[sflag:s6] =	ssyncadd.remote.s32 @p0 $0x1;
	_ =	sdelay $0x1  }
0x2a: {  	s6 =	simm.s32 @p0 $0x1B8D  }
0x2b: {  	_ =	swait.eq @p0 [sflag:s6], $0x1  }
0x2c: {  	[sflag:s6] =	ssyncadd.s32 @p0 $0xFFFFFFFF  }
0x2d: {  	s7 =	sshll.u32 @!p0 s1, $0xE  }
0x2e: {  	s7 =	sor.u32 @!p0 $0x4000, s7;
	s6 =	simm.s32 @!p0 $0x1B8D  }
0x2f: {  	s5 =	sshll.u32 @!p0 s5, $0x11;
	s7 =	sadd.s32 @!p0 $0x11B8D, s7;
	_ =	swait.eq @!p0 [sflag:s6], $0x1  }
0x30: {  	s5 =	sor.u32 @!p0 s5, s7;
	[sflag:s6] =	ssyncadd.s32 @!p0 $0xFFFFFFFF  }
0x31: {  	s26 =	simm.s32 $0x1B8E;
	s25 =	sld [smem:$0x3FFE];
	[sflag:s5] =	ssyncadd.remote.s32 @!p0 $0x1  }
0x32: {  	s27 =	simm.s32 $execute0_lowered;
	[smem:$0x3FD2] =	sst s26  }
0x33: {  	s6 =	sshll.u32 s27, $0x1;
	_ =	strace $0x80000049;
	[dreg:$0x1] =	wrdreg $0xFFFFFFFF  }
0x34: {  	s28 =	simm.s32 $_size_execute0_lowered;
	s4 =	sadd.s32 s4, s6;
	[dreg:$0x0] =	wrdreg $0x0  }
0x35: {  	s6 =	sshll.u32 s28, $0x1;
	[dreg:$0x2] =	wrdreg s4  }
0x36: {  	[dreg:$0x3] =	wrdreg s6  }
0x37: {  	[dreg:$0x4] =	wrdreg $0xC0  }
0x38: {  	_ =	task [dreg:s23], $0x5FFFF  }
0x39: {  	[dreg:$0x1] =	wrdreg $0xFFFFFFFF  }
0x3a: {  	[dreg:$0x0] =	wrdreg $0x60  }
0x3b: {  	[dreg:$0x2] =	wrdreg s25  }
0x3c: {  	[dreg:$0x3] =	wrdreg s18  }
0x3d: {  	[dreg:$0x4] =	wrdreg $0x9  }
0x3e: {  	_ =	task.clear_ibuf [dreg:s23], $0x5FFFF;
	_ =	strace $0x90000049  }
0x3f: {  	s29 =	simm.s32 $0x9;
	_ =	strace $0x8000004B  }
0x40: {  	_ =	swait.ge [sflag:s29], $0x1  }
0x41: {  	[sflag:s29] =	ssyncadd.s32 $0xFFFFFFFF  }
0x42: {  	_ =	strace $0x9000004B  }
0x43: {  	_ =	sfence  }
0x44: {  	s30 =	sld [smem:$0x0];
	_ =	sdelay $0x2  }
0x45: {  	s31 =	sshll.u32 s1, $0xD;
	s1 =	sshrl.u32 s1, $0x2  }
0x46: {  	s4 =	sand.u32 $0x4000, s31;
	s1 =	sadd.s32 s1, s30  }
0x47: {  	s0 =	sor.u32 s4, s0;
	s1 =	sshll.u32 s1, $0x11  }
0x48: {  	s0 =	sor.u32 s1, s0  }
0x49: {  	s0 =	sadd.s32 $0x8F2B, s0  }
0x4a: {  	[sflag:s0] =	ssyncadd.remote.s32 $0x1  }
0x4b: {  	_ =	sfence.sel $0xFFFF  }
0x4c: {  	[dreg:$0x0] =	wrdreg $0xFFFFFFFF;
	(pc) =	sbr.abs _section_cstart, $3  }
0x4d: {  	[dreg:$0x1] =	wrdreg $0xFFFFFFFF  }
0x4e: {  	_ =	task.clear_ibuf [dreg:s23], $0x2FFFF;
	_ =	strace $0x9FFFFFFF  }
0x4f: {  	(tm) =	ssettm $0x7FFFFFFF  }
tec
execute0_lowered:
.L_overlay_start_1:
0x0: {  	(tag) =	ssettag $0x1  }
0x1: {  	s0 =	srdreg.scid  }
0x2: {  	s1 =	sshll.u32 s0, $0x4  }
0x3: {  	s0 =	stileid.u32;
	s1 =	sand.u32 $0x10, s1  }
0x4: {  	s1 =	sor.u32 s0, s1  }
0x5: {  	s6 =	rddreg [dreg:$0x0];
	s4 =	simm.s32 $0x1;
	s2 =	sshll.u32 s1, $0x7  }
0x6: {  	s7 =	simm.s32 $0x2;
	s12 =	simm.s32 $0x0;
	s1 =	ssub.s32 $0x1000, s2  }
0x7: {  	s8 =	simm.s32 $0x8000;
	s13 =	simm.s32 $0x0;
	s3 =	sand.u32 $0xF80, s1  }
0x8: {  	s9 =	simm.s32 $0x0;
	s5 =	sshrl.u32 s1, $0xC;
	p0 =	sne.s32 s3, $0x0  }
.Ltmp0:
0x9: {  	s1 =	rddreg [dreg:$0x2];
	s4 =	simm.s32 @!p0 $0x0;
	(pc) =	sbr.rel .LBB1_1-.Ltmp0, $4  }
0xa: {  	s11 =	simm.s32 $0x0;
	s3 =	rddreg [dreg:$0x1];
	s5 =	sadd.s32 s4, s5  }
0xb: {  	_ =	strace $0x8000004A;
	s4 =	simm.s32 $0x1;
	s5 =	smul.u32 $0x32, s5  }
0xc: {  	s6 =	sadd.s32 $0x2800, s6;
	s10 =	smov.u32 s2;
	[sflag:s4] =	ssyncpa.u1 $0x0  }
0xd: {  	p0 =	por $0x0, $0x0;
	[sflag:s7] =	ssyncpa.u1 $0x0;
	s7 =	sor.u32 $0x1, s5  }
.LBB1_4:
0xe: {  	s16 =	sshll.u32 s13, $0x3;
	s17 =	sand.u32 $0x78, s13  }
0xf: {  	s30 =	sand.u32 $0x7E00, s13;
	s12 =	sshll.u32 s12, $0xF;
	s16 =	sand.u32 $0xC00, s16  }
0x10: {  	[tilespmem:s15+$0x810 ss:$0x81] =	vst.msk $0xffff, v2;
	s31 =	sand.u32 $0x7, s13;
	s16 =	sor.u32 s17, s16;
	s17 =	sadd.s32 s3, s30  }
0x11: {  	[tilespmem:s15+$0x1020 ss:$0x81] =	vst.msk $0xffff, v0;
	s13 =	sshll.u32 s31, $0x12;
	s12 =	sadd.s32 s12, s17;
	s16 =	sshrl.u32 s16, $0x3  }
0x12: {  	[tilespmem:s15+$0x0 ss:$0x81] =	vst.msk $0xffff, v1;
	s13 =	sor.u32 $0x400, s13;
	s12 =	sadd.s32 s16, s12  }
0x13: {  	[hbm4b:s12+s13] =	stream.strided.scatter [tilespmem:s14], [sflag:$0x2], $0x2000, s8, s13, $0x20;
	[tilespmem:$0x8080] =	vst v63  }
.LBB1_5:
0x14: {  	s14 =	sadd.s32 $0x1, s9  }
0x15: {  	s12 =	sadd.s32 $0x1000, s10;
	s16 =	smov.u32 s10;
	p2 =	sgt.s32 s14, $0x31  }
0x16: {  	s16 =	smov.u32 @p2 s12  }
0x17: {  	s14 =	simm.s32 @p2 $0x0;
	p2 =	sgt.s32 s16, $0xFFF  }
0x18: {  	s16 =	smov.u32 @p2 s2;
	p2 =	sne.s32 s11, s7  }
.Ltmp1:
0x19: {  	p1 =	slt.u32 s11, $0x2;
	(pc) =	sbr.rel @!p2 .LBB1_6-.Ltmp1, $4  }
0x1a: {  	s15 =	simm.s32 @!p1 $0x2  }
0x1b: {  	s13 =	smov.u32 s10;
	p0 =	por !p0, !p0;
	_ =	swait.ge @!p1 [sflag:s15], $0x2000  }
0x1c: {  	s12 =	smov.u32 s9;
	[sflag:s15] =	ssyncset.done @!p1 $0x0;
	s9 =	smov.u32 s14  }
0x1d: {  	s11 =	sadd.s32 $0x1, s11;
	[sflag:s15] =	ssyncadd.s32 @!p1 $0xFFFFE000;
	s10 =	smov.u32 s16  }
.LBB1_1:
0x1e: {  	p1 =	sge.u32 s11, s5  }
0x1f: {  	s14 =	sand.u32 @!p1 $0x1FFFFFF, s9  }
0x20: {  	s15 =	smulhi.u32 @!p1 $0x4924925, s14;
	_ =	sdelay $0x1  }
0x21: {  	s15 =	smul.u32 @!p1 $0x38, s15  }
0x22: {  	s16 =	sxor.u32 @!p1 $0xFFFFFFFF, s11;
	s17 =	smul.u32 @!p1 $0x380, s10  }
0x23: {  	s31 =	sadd.s32 $0xFFFFFFFF, s11;
	s16 =	sshll.u32 @!p1 s16, $0xD;
	s14 =	ssub.s32 @!p1 s14, s15  }
0x24: {  	s15 =	sand.u32 @!p1 $0x2000, s16;
	s16 =	sadd.s32 @!p1 s6, s17;
	s14 =	sshll.u32 @!p1 s14, $0x4  }
0x25: {  	s17 =	simm.s32 @!p1 $0x1C00;
	s14 =	sadd.s32 @!p1 s14, s16;
	s16 =	simm.s32 @!p1 $0x40  }
0x26: {  	[tilespmem:s15], [sflag:$0x1] =	stream.strided.gather @!p1 [hbm4b:s14+s16], $0x2000, s17, s16, $0x38;
	[tilespmem:$0x8080] =	vst v63  }
0x27: {  	p1 =	sge.u32 s31, s5  }
.Ltmp2:
0x28: {  	_ = 	snop;
	(pc) =	sbr.rel @p1 .LBB1_5-.Ltmp2, $1  }
0x29: {  	_ =	sdelay $0x3  }
0x2a: {  	s14 =	simm.s32 $0x1  }
0x2b: {  	_ =	swait.ge [sflag:s4], $0x2000;
	s14 =	simm.s32 @!p0 $0x0  }
0x2c: {  	[sflag:s4] =	ssyncset.done $0x0;
	s15 =	sshll.u32 s14, $0xD  }
0x2d: {  	[sflag:s4] =	ssyncadd.s32 $0xFFFFE000;
	s18 =	sor.u32 $0x20, s15  }
0x2e: {  	s14 =	smul.u32 $0x8100, s14;
	v3 =	vld [tilespmem:s18+$0x10]  }
0x2f: {  	s30 =	sand.u32 $0x1, s11;
	v2 =	vld [tilespmem:s18+$0xFFFFFFF0]  }
0x30: {  	s15 =	smul.u32 $0x8100, s30;
	s14 =	sshrl.u32 s14, $0x2;
	v0 =	vld [tilespmem:s18+$0x0]  }
0x31: {  	v1 =	vld [tilespmem:s18+$0xFFFFFFE0];
	s16 =	sor.u32 $0x4000, s14  }
0x32: {  	s31 =	sshrl.u32 s15, $0x2;
	s15 =	sadd.s32 $0x0, s16  }
0x33: {  	s17 =	simm.s32 $0x4;
	s18 =	sadd.s32 $0x40, s18;
	s14 =	sor.u32 $0x4000, s31;
	[tilespmem:s15+$0x1830 ss:$0x81] =	vst.msk $0xffff, v3  }
.LBB1_3:
0x34: {  	v3 =	vld [tilespmem:s18+$0x10];
	p1 =	sne.s32 s17, $0x1FC;
	[tilespmem:s15+$0x810 ss:$0x81] =	vst.msk $0xffff, v2;
	s19 =	smov.u32 s17;
	s17 =	sadd.s32 $0x4, s17  }
.Ltmp3:
0x35: {  	v2 =	vld [tilespmem:s18+$0xFFFFFFF0];
	[tilespmem:s15+$0x1020 ss:$0x81] =	vst.msk $0xffff, v0;
	(pc) =	sbr.rel @p1 .LBB1_3-.Ltmp3, $4  }
0x36: {  	v0 =	vld [tilespmem:s18+$0x0];
	[tilespmem:s15+$0x0 ss:$0x81] =	vst.msk $0xffff, v1  }
0x37: {  	s15 =	sshra.s32 s19, $0x2;
	v1 =	vld [tilespmem:s18+$0xFFFFFFE0]  }
0x38: {  	s15 =	sadd.s32 s15, s16  }
0x39: {  	s18 =	sadd.s32 $0x40, s18;
	[tilespmem:s15+$0x1830 ss:$0x81] =	vst.msk $0xffff, v3  }
.Ltmp4:
0x3a: {  	_ = 	snop;
	(pc) =	sbr.rel .LBB1_4-.Ltmp4, $1  }
0x3b: {  	_ =	sdelay $0x3  }
.LBB1_6:
0x3c: {  	_ =	sfence.sel $0x180000  }
0x3d: {  	s2 =	simm.s32 $0x1;
	[bflag:$0x0] =	sbarrier.arrive $0xFFFF  }
0x3e: {  	s31 =	simm.s32 $0x2;
	[sflag:s2] =	ssyncpa.u1 $0x1  }
0x3f: {  	[sflag:s31] =	ssyncpa.u1 $0x1  }
0x40: {  	p0 =	sne.s32 s0, $0x0;
	_ =	strace $0x9000004A  }
0x41: {  	s0 =	sadd.s32 @!p0 $0x100000, s1;
	[bflag:$0x2] =	sbarrier.arrive $0xFFFF  }
0x42: {  	[sflag:s0] =	ssyncadd.tile.s32 @!p0 $0x1;
	_ =	shalt  }
.Lfunc_end1:
_tile_overlayer_lowered:
.L_overlay_start_2:
0x43: {  	(tag) =	ssettag $0x2  }
0x44: {  	s0 =	rddreg [dreg:$0x0];
	s2 =	stileid.u32  }
0x45: {  	s1 =	rddreg [dreg:$0x1];
	p0 =	sne.s32 s2, $0x0  }
0x46: {  	s3 =	rddreg [dreg:$0x2];
	[bflag:$0x3] =	sbarrier.arrive $0xFFFF;
	s2 =	simm.s32 @!p0 $0x1C01  }
0x47: {  	[timem:s3], [sflag:s2] =	dma.local @!p0 [hbm:s0], s1  }
0x48: {  	s0 =	simm.s32 @!p0 $0x1  }
0x49: {  	_ =	swait.ge @!p0 [sflag:s0], s1  }
0x4a: {  	s1 =	ssub.s32 @!p0 $0x0, s1;
	[sflag:s0] =	ssyncset.done @!p0 $0x0  }
0x4b: {  	[sflag:s0] =	ssyncadd.s32 @!p0 s1  }
0x4c: {  	[bflag:$0x3] =	sbarrier.arrive $0xFFFF  }
0x4d: {  	_ =	shalt  }

</sc_bundles>
